<compile_context>
chip_gen: v7x
topology: tpu7x:2x2x1
jax: 0.10.2.dev20260603
libtpu: 0.0.44.dev20260713+nightly
codegen_flags: <defaults>
</compile_context>

<pallas_src>
import functools

import jax
import jax.numpy as jnp
from jax import lax
from jax.experimental import pallas as pl
from jax.experimental.pallas import tpu as pltpu
from jax.experimental.pallas import tpu_sc as plsc

_WIDTHS = (2, 2, 1, 6, 18, 18, 12, 12, 12, 18)
_NUM_TABLES = len(_WIDTHS)


def _body(x_hbm, *refs):
    ws = refs[:_NUM_TABLES]
    outs = refs[_NUM_TABLES:2 * _NUM_TABLES]
    x_s = refs[2 * _NUM_TABLES]
    sem = refs[2 * _NUM_TABLES + 1]

    @pl.when(lax.axis_index("q") == 0)
    def _():
        pltpu.sync_copy(x_hbm, x_s)
        v = x_s[0, 0] * 100.0
        i0 = v.astype(jnp.int32)
        idx = jnp.where(i0.astype(jnp.float32) > v, i0 - 1, i0)
        copies = [pltpu.async_copy(w.at[pl.ds(idx, 1), :], o, sem)
                  for w, o in zip(ws, outs)]
        for c in copies:
            c.wait()


_scs = functools.partial(
    pl.kernel,
    out_type=[jax.ShapeDtypeStruct((1, d), jnp.float32) for d in _WIDTHS],
    mesh=plsc.ScalarSubcoreMesh(axis_name="q", num_cores=1),
    scratch_types=[
        pltpu.SMEM((1, 1), jnp.float32),
        pltpu.SemaphoreType.DMA,
    ],
    compiler_params=pltpu.CompilerParams(needs_layout_passes=False,
                                         use_tc_tiling_on_sc=False,
                                         skip_device_barrier=True),
)(_body)


def kernel(x, W_enc_embed, W_dec_embed, W_enc_layer, W_dec_layer,
           W_enc_ffn, W_dec_ffn, W_enc_heads, W_dec_heads,
           W_dec_ende_heads, W_dec_arb_ende):
    (enc_embed, dec_embed, enc_layer, dec_layer, enc_ffn, dec_ffn,
     enc_heads, dec_heads, dec_ende_heads, dec_arb_ende) = _scs(
        x, W_enc_embed, W_dec_embed, W_enc_layer, W_dec_layer,
        W_enc_ffn, W_dec_ffn, W_enc_heads, W_dec_heads,
        W_dec_ende_heads, W_dec_arb_ende)
    return (enc_embed, dec_embed, enc_layer.reshape(1, 1),
            dec_layer.reshape(1, 6),
            enc_ffn.reshape(6, 3), dec_ffn.reshape(6, 3),
            enc_heads.reshape(6, 2), dec_heads.reshape(6, 2),
            dec_ende_heads.reshape(6, 2), dec_arb_ende.reshape(6, 3))

# --- scband reference (transcript-rebuilt; emitter-appended) ---
"""Pipeline reference for scband-hyper-network-20830591385763 (READ-ONLY COPY).

The authoritative reference and input builder live on the scoring server;
editing this copy changes nothing except your own understanding.
"""

import jax, jax.numpy as jnp
import numpy as np

# search_space-derived sizes (HAT WMT'14 En-De):
#   num_choices_encoder_embed=2, decoder_embed=2, encoder_layer=1, decoder_layer=6
#   encoder_ffn=3, decoder_ffn=3, encoder_heads=2, decoder_heads=2, decoder_ende_heads=2, decoder_arb_ende=3
#   max_enc_layers=6, max_dec_layers=6
MAX_DEC_LAYERS = 6


def setup_inputs(seed: int = 0) -> dict:
    key = jax.random.key(seed)
    ks = jax.random.split(key, 11)
    x = jax.random.uniform(ks[0], (1, 1), dtype=jnp.float32)
    mk = lambda k, d: jax.random.normal(k, (101, d), dtype=jnp.float32)
    return {
        "x": x,
        "W_enc_embed": mk(ks[1], 2),
        "W_dec_embed": mk(ks[2], 2),
        "W_enc_layer": mk(ks[3], 1),
        "W_dec_layer": mk(ks[4], 6),
        "W_enc_ffn": mk(ks[5], 3 * 6),
        "W_dec_ffn": mk(ks[6], 3 * 6),
        "W_enc_heads": mk(ks[7], 2 * 6),
        "W_dec_heads": mk(ks[8], 2 * 6),
        "W_dec_ende_heads": mk(ks[9], 2 * 6),
        "W_dec_arb_ende": mk(ks[10], 3 * 6),
    }


def reference(x, W_enc_embed, W_dec_embed, W_enc_layer, W_dec_layer,
              W_enc_ffn, W_dec_ffn, W_enc_heads, W_dec_heads,
              W_dec_ende_heads, W_dec_arb_ende):
    # id = int(x[0][0] * 100); int() truncation == int32 cast for x in [0, 1)
    idx = jax.lax.stop_gradient((x[0, 0] * 100.0).astype(jnp.int32))
    ids = idx[None]  # shape [1], mirrors torch.tensor([id])
    encoder_embed = jnp.take(W_enc_embed, ids, axis=0)            # [1, 2]
    decoder_embed = jnp.take(W_dec_embed, ids, axis=0)            # [1, 2]
    encoder_layer = jnp.take(W_enc_layer, ids, axis=0)            # [1, 1]
    decoder_layer = jnp.take(W_dec_layer, ids, axis=0)            # [1, 6]
    # NOTE: original code reshapes encoder tensors with max_dec_layers (faithful):
    encoder_ffn = jnp.take(W_enc_ffn, ids, axis=0).reshape(MAX_DEC_LAYERS, 3)
    decoder_ffn = jnp.take(W_dec_ffn, ids, axis=0).reshape(MAX_DEC_LAYERS, 3)
    encoder_heads = jnp.take(W_enc_heads, ids, axis=0).reshape(MAX_DEC_LAYERS, 2)
    decoder_heads = jnp.take(W_dec_heads, ids, axis=0).reshape(MAX_DEC_LAYERS, 2)
    decoder_ende_heads = jnp.take(W_dec_ende_heads, ids, axis=0).reshape(MAX_DEC_LAYERS, 2)
    decoder_arb_ende = jnp.take(W_dec_arb_ende, ids, axis=0).reshape(MAX_DEC_LAYERS, 3)
    return (encoder_embed, decoder_embed, encoder_layer, decoder_layer,
            encoder_ffn, decoder_ffn, encoder_heads, decoder_heads,
            decoder_ende_heads, decoder_arb_ende)

if __name__ == "__main__":
    import jax
    _d = setup_inputs()
    print(jax.jit(kernel)(*tuple(_d.values())))

</pallas_src>

<mosaic_0001>
#map = affine_map<(d0) -> (0, 0)>
module attributes {stable_mosaic.version = 14 : i64} {
  func.func @_body(%arg0: i32, %arg1: memref<1x1xf32, #tpu.memory_space<hbm>>, %arg2: memref<101x2xf32, #tpu.memory_space<hbm>>, %arg3: memref<101x2xf32, #tpu.memory_space<hbm>>, %arg4: memref<101x1xf32, #tpu.memory_space<hbm>>, %arg5: memref<101x6xf32, #tpu.memory_space<hbm>>, %arg6: memref<101x18xf32, #tpu.memory_space<hbm>>, %arg7: memref<101x18xf32, #tpu.memory_space<hbm>>, %arg8: memref<101x12xf32, #tpu.memory_space<hbm>>, %arg9: memref<101x12xf32, #tpu.memory_space<hbm>>, %arg10: memref<101x12xf32, #tpu.memory_space<hbm>>, %arg11: memref<101x18xf32, #tpu.memory_space<hbm>>, %arg12: memref<1x2xf32, #tpu.memory_space<hbm>>, %arg13: memref<1x2xf32, #tpu.memory_space<hbm>>, %arg14: memref<1x1xf32, #tpu.memory_space<hbm>>, %arg15: memref<1x6xf32, #tpu.memory_space<hbm>>, %arg16: memref<1x18xf32, #tpu.memory_space<hbm>>, %arg17: memref<1x18xf32, #tpu.memory_space<hbm>>, %arg18: memref<1x12xf32, #tpu.memory_space<hbm>>, %arg19: memref<1x12xf32, #tpu.memory_space<hbm>>, %arg20: memref<1x12xf32, #tpu.memory_space<hbm>>, %arg21: memref<1x18xf32, #tpu.memory_space<hbm>>, %arg22: memref<1x1xf32, #tpu.memory_space<smem>>, %arg23: memref<!tpu.dma_semaphore, #tpu.memory_space<semaphore_mem>>) attributes {dimension_semantics = [#tpu.dimension_semantics<core_parallel>], iteration_bounds = array<i64: 1>, scalar_prefetch = 0 : i64, scratch_operands = 2 : i64, tpu.core_type = #tpu.core_type<sc_scalar_subcore>, window_params = [{transform_indices = #map}, {transform_indices = #map}, {transform_indices = #map}, {transform_indices = #map}, {transform_indices = #map}, {transform_indices = #map}, {transform_indices = #map}, {transform_indices = #map}, {transform_indices = #map}, {transform_indices = #map}, {transform_indices = #map}, {transform_indices = #map}, {transform_indices = #map}, {transform_indices = #map}, {transform_indices = #map}, {transform_indices = #map}, {transform_indices = #map}, {transform_indices = #map}, {transform_indices = #map}, {transform_indices = #map}, {transform_indices = #map}]} {
    %eq3A = arith.constant 0 : i32
    %eq3A_0 = arith.cmpi eq, %arg0, %eq3A : i32
    %convert_element_type3A = arith.extui %eq3A_0 : i1 to i32
    %cond3A = arith.constant 0 : i32
    %cond3A_1 = arith.cmpi ne, %convert_element_type3A, %cond3A : i32
    scf.if %cond3A_1 {
      "tpu.region"() ({
        %run_scoped3A = tpu.sem_alloc : memref<!tpu.dma_semaphore, #tpu.memory_space<semaphore_mem>>
        tpu.enqueue_dma source(%arg1 : memref<1x1xf32, #tpu.memory_space<hbm>>) target(%arg22 : memref<1x1xf32, #tpu.memory_space<smem>>) target_semaphore(%run_scoped3A : memref<!tpu.dma_semaphore, #tpu.memory_space<semaphore_mem>>)
        tpu.wait_dma2 semaphore(%run_scoped3A : memref<!tpu.dma_semaphore, #tpu.memory_space<semaphore_mem>>) src(%arg1 : memref<1x1xf32, #tpu.memory_space<hbm>>) dst(%arg22 : memref<1x1xf32, #tpu.memory_space<smem>>)
        tpu.yield
      }) : () -> ()
      %get3A = arith.constant 0 : i32
      %get3A_2 = arith.constant 0 : i32
      %get3A_3 = arith.index_cast %get3A : i32 to index
      %get3A_4 = arith.index_cast %get3A_2 : i32 to index
      %get3A_5 = memref.load %arg22[%get3A_3, %get3A_4] : memref<1x1xf32, #tpu.memory_space<smem>>
      %mul3A = arith.constant 1.000000e+02 : f32
      %mul3A_6 = arith.mulf %get3A_5, %mul3A : f32
      %convert_element_type3A_7 = arith.fptosi %mul3A_6 : f32 to i32
      %convert_element_type3A_8 = arith.sitofp %convert_element_type3A_7 : i32 to f32
      %gt3A = arith.cmpf ogt, %convert_element_type3A_8, %mul3A_6 : f32
      %sub3A = arith.constant 1 : i32
      %sub3A_9 = arith.subi %convert_element_type3A_7, %sub3A : i32
      %select_n3A = arith.select %gt3A, %sub3A_9, %convert_element_type3A_7 : i32
      %dma_start3A = arith.constant 0 : i32
      %dma_start3A_10 = tpu.memref_slice %arg2[%select_n3A, %dma_start3A] : memref<101x2xf32, #tpu.memory_space<hbm>> -> memref<1x2xf32, #tpu.memory_space<hbm>>
      tpu.enqueue_dma source(%dma_start3A_10 : memref<1x2xf32, #tpu.memory_space<hbm>>) target(%arg12 : memref<1x2xf32, #tpu.memory_space<hbm>>) target_semaphore(%arg23 : memref<!tpu.dma_semaphore, #tpu.memory_space<semaphore_mem>>)
      %dma_start3A_11 = arith.constant 0 : i32
      %dma_start3A_12 = tpu.memref_slice %arg3[%select_n3A, %dma_start3A_11] : memref<101x2xf32, #tpu.memory_space<hbm>> -> memref<1x2xf32, #tpu.memory_space<hbm>>
      tpu.enqueue_dma source(%dma_start3A_12 : memref<1x2xf32, #tpu.memory_space<hbm>>) target(%arg13 : memref<1x2xf32, #tpu.memory_space<hbm>>) target_semaphore(%arg23 : memref<!tpu.dma_semaphore, #tpu.memory_space<semaphore_mem>>)
      %dma_start3A_13 = arith.constant 0 : i32
      %dma_start3A_14 = tpu.memref_slice %arg4[%select_n3A, %dma_start3A_13] : memref<101x1xf32, #tpu.memory_space<hbm>> -> memref<1x1xf32, #tpu.memory_space<hbm>>
      tpu.enqueue_dma source(%dma_start3A_14 : memref<1x1xf32, #tpu.memory_space<hbm>>) target(%arg14 : memref<1x1xf32, #tpu.memory_space<hbm>>) target_semaphore(%arg23 : memref<!tpu.dma_semaphore, #tpu.memory_space<semaphore_mem>>)
      %dma_start3A_15 = arith.constant 0 : i32
      %dma_start3A_16 = tpu.memref_slice %arg5[%select_n3A, %dma_start3A_15] : memref<101x6xf32, #tpu.memory_space<hbm>> -> memref<1x6xf32, #tpu.memory_space<hbm>>
      tpu.enqueue_dma source(%dma_start3A_16 : memref<1x6xf32, #tpu.memory_space<hbm>>) target(%arg15 : memref<1x6xf32, #tpu.memory_space<hbm>>) target_semaphore(%arg23 : memref<!tpu.dma_semaphore, #tpu.memory_space<semaphore_mem>>)
      %dma_start3A_17 = arith.constant 0 : i32
      %dma_start3A_18 = tpu.memref_slice %arg6[%select_n3A, %dma_start3A_17] : memref<101x18xf32, #tpu.memory_space<hbm>> -> memref<1x18xf32, #tpu.memory_space<hbm>>
      tpu.enqueue_dma source(%dma_start3A_18 : memref<1x18xf32, #tpu.memory_space<hbm>>) target(%arg16 : memref<1x18xf32, #tpu.memory_space<hbm>>) target_semaphore(%arg23 : memref<!tpu.dma_semaphore, #tpu.memory_space<semaphore_mem>>)
      %dma_start3A_19 = arith.constant 0 : i32
      %dma_start3A_20 = tpu.memref_slice %arg7[%select_n3A, %dma_start3A_19] : memref<101x18xf32, #tpu.memory_space<hbm>> -> memref<1x18xf32, #tpu.memory_space<hbm>>
      tpu.enqueue_dma source(%dma_start3A_20 : memref<1x18xf32, #tpu.memory_space<hbm>>) target(%arg17 : memref<1x18xf32, #tpu.memory_space<hbm>>) target_semaphore(%arg23 : memref<!tpu.dma_semaphore, #tpu.memory_space<semaphore_mem>>)
      %dma_start3A_21 = arith.constant 0 : i32
      %dma_start3A_22 = tpu.memref_slice %arg8[%select_n3A, %dma_start3A_21] : memref<101x12xf32, #tpu.memory_space<hbm>> -> memref<1x12xf32, #tpu.memory_space<hbm>>
      tpu.enqueue_dma source(%dma_start3A_22 : memref<1x12xf32, #tpu.memory_space<hbm>>) target(%arg18 : memref<1x12xf32, #tpu.memory_space<hbm>>) target_semaphore(%arg23 : memref<!tpu.dma_semaphore, #tpu.memory_space<semaphore_mem>>)
      %dma_start3A_23 = arith.constant 0 : i32
      %dma_start3A_24 = tpu.memref_slice %arg9[%select_n3A, %dma_start3A_23] : memref<101x12xf32, #tpu.memory_space<hbm>> -> memref<1x12xf32, #tpu.memory_space<hbm>>
      tpu.enqueue_dma source(%dma_start3A_24 : memref<1x12xf32, #tpu.memory_space<hbm>>) target(%arg19 : memref<1x12xf32, #tpu.memory_space<hbm>>) target_semaphore(%arg23 : memref<!tpu.dma_semaphore, #tpu.memory_space<semaphore_mem>>)
      %dma_start3A_25 = arith.constant 0 : i32
      %dma_start3A_26 = tpu.memref_slice %arg10[%select_n3A, %dma_start3A_25] : memref<101x12xf32, #tpu.memory_space<hbm>> -> memref<1x12xf32, #tpu.memory_space<hbm>>
      tpu.enqueue_dma source(%dma_start3A_26 : memref<1x12xf32, #tpu.memory_space<hbm>>) target(%arg20 : memref<1x12xf32, #tpu.memory_space<hbm>>) target_semaphore(%arg23 : memref<!tpu.dma_semaphore, #tpu.memory_space<semaphore_mem>>)
      %dma_start3A_27 = arith.constant 0 : i32
      %dma_start3A_28 = tpu.memref_slice %arg11[%select_n3A, %dma_start3A_27] : memref<101x18xf32, #tpu.memory_space<hbm>> -> memref<1x18xf32, #tpu.memory_space<hbm>>
      tpu.enqueue_dma source(%dma_start3A_28 : memref<1x18xf32, #tpu.memory_space<hbm>>) target(%arg21 : memref<1x18xf32, #tpu.memory_space<hbm>>) target_semaphore(%arg23 : memref<!tpu.dma_semaphore, #tpu.memory_space<semaphore_mem>>)
      %dma_wait3A = arith.constant 0 : i32
      %dma_wait3A_29 = tpu.memref_slice %arg2[%select_n3A, %dma_wait3A] : memref<101x2xf32, #tpu.memory_space<hbm>> -> memref<1x2xf32, #tpu.memory_space<hbm>>
      tpu.wait_dma2 semaphore(%arg23 : memref<!tpu.dma_semaphore, #tpu.memory_space<semaphore_mem>>) src(%dma_wait3A_29 : memref<1x2xf32, #tpu.memory_space<hbm>>) dst(%arg12 : memref<1x2xf32, #tpu.memory_space<hbm>>)
      %dma_wait3A_30 = arith.constant 0 : i32
      %dma_wait3A_31 = tpu.memref_slice %arg3[%select_n3A, %dma_wait3A_30] : memref<101x2xf32, #tpu.memory_space<hbm>> -> memref<1x2xf32, #tpu.memory_space<hbm>>
      tpu.wait_dma2 semaphore(%arg23 : memref<!tpu.dma_semaphore, #tpu.memory_space<semaphore_mem>>) src(%dma_wait3A_31 : memref<1x2xf32, #tpu.memory_space<hbm>>) dst(%arg13 : memref<1x2xf32, #tpu.memory_space<hbm>>)
      %dma_wait3A_32 = arith.constant 0 : i32
      %dma_wait3A_33 = tpu.memref_slice %arg4[%select_n3A, %dma_wait3A_32] : memref<101x1xf32, #tpu.memory_space<hbm>> -> memref<1x1xf32, #tpu.memory_space<hbm>>
      tpu.wait_dma2 semaphore(%arg23 : memref<!tpu.dma_semaphore, #tpu.memory_space<semaphore_mem>>) src(%dma_wait3A_33 : memref<1x1xf32, #tpu.memory_space<hbm>>) dst(%arg14 : memref<1x1xf32, #tpu.memory_space<hbm>>)
      %dma_wait3A_34 = arith.constant 0 : i32
      %dma_wait3A_35 = tpu.memref_slice %arg5[%select_n3A, %dma_wait3A_34] : memref<101x6xf32, #tpu.memory_space<hbm>> -> memref<1x6xf32, #tpu.memory_space<hbm>>
      tpu.wait_dma2 semaphore(%arg23 : memref<!tpu.dma_semaphore, #tpu.memory_space<semaphore_mem>>) src(%dma_wait3A_35 : memref<1x6xf32, #tpu.memory_space<hbm>>) dst(%arg15 : memref<1x6xf32, #tpu.memory_space<hbm>>)
      %dma_wait3A_36 = arith.constant 0 : i32
      %dma_wait3A_37 = tpu.memref_slice %arg6[%select_n3A, %dma_wait3A_36] : memref<101x18xf32, #tpu.memory_space<hbm>> -> memref<1x18xf32, #tpu.memory_space<hbm>>
      tpu.wait_dma2 semaphore(%arg23 : memref<!tpu.dma_semaphore, #tpu.memory_space<semaphore_mem>>) src(%dma_wait3A_37 : memref<1x18xf32, #tpu.memory_space<hbm>>) dst(%arg16 : memref<1x18xf32, #tpu.memory_space<hbm>>)
      %dma_wait3A_38 = arith.constant 0 : i32
      %dma_wait3A_39 = tpu.memref_slice %arg7[%select_n3A, %dma_wait3A_38] : memref<101x18xf32, #tpu.memory_space<hbm>> -> memref<1x18xf32, #tpu.memory_space<hbm>>
      tpu.wait_dma2 semaphore(%arg23 : memref<!tpu.dma_semaphore, #tpu.memory_space<semaphore_mem>>) src(%dma_wait3A_39 : memref<1x18xf32, #tpu.memory_space<hbm>>) dst(%arg17 : memref<1x18xf32, #tpu.memory_space<hbm>>)
      %dma_wait3A_40 = arith.constant 0 : i32
      %dma_wait3A_41 = tpu.memref_slice %arg8[%select_n3A, %dma_wait3A_40] : memref<101x12xf32, #tpu.memory_space<hbm>> -> memref<1x12xf32, #tpu.memory_space<hbm>>
      tpu.wait_dma2 semaphore(%arg23 : memref<!tpu.dma_semaphore, #tpu.memory_space<semaphore_mem>>) src(%dma_wait3A_41 : memref<1x12xf32, #tpu.memory_space<hbm>>) dst(%arg18 : memref<1x12xf32, #tpu.memory_space<hbm>>)
      %dma_wait3A_42 = arith.constant 0 : i32
      %dma_wait3A_43 = tpu.memref_slice %arg9[%select_n3A, %dma_wait3A_42] : memref<101x12xf32, #tpu.memory_space<hbm>> -> memref<1x12xf32, #tpu.memory_space<hbm>>
      tpu.wait_dma2 semaphore(%arg23 : memref<!tpu.dma_semaphore, #tpu.memory_space<semaphore_mem>>) src(%dma_wait3A_43 : memref<1x12xf32, #tpu.memory_space<hbm>>) dst(%arg19 : memref<1x12xf32, #tpu.memory_space<hbm>>)
      %dma_wait3A_44 = arith.constant 0 : i32
      %dma_wait3A_45 = tpu.memref_slice %arg10[%select_n3A, %dma_wait3A_44] : memref<101x12xf32, #tpu.memory_space<hbm>> -> memref<1x12xf32, #tpu.memory_space<hbm>>
      tpu.wait_dma2 semaphore(%arg23 : memref<!tpu.dma_semaphore, #tpu.memory_space<semaphore_mem>>) src(%dma_wait3A_45 : memref<1x12xf32, #tpu.memory_space<hbm>>) dst(%arg20 : memref<1x12xf32, #tpu.memory_space<hbm>>)
      %dma_wait3A_46 = arith.constant 0 : i32
      %dma_wait3A_47 = tpu.memref_slice %arg11[%select_n3A, %dma_wait3A_46] : memref<101x18xf32, #tpu.memory_space<hbm>> -> memref<1x18xf32, #tpu.memory_space<hbm>>
      tpu.wait_dma2 semaphore(%arg23 : memref<!tpu.dma_semaphore, #tpu.memory_space<semaphore_mem>>) src(%dma_wait3A_47 : memref<1x18xf32, #tpu.memory_space<hbm>>) dst(%arg21 : memref<1x18xf32, #tpu.memory_space<hbm>>)
    } else {
    }
    return
  }
}

</mosaic_0001>

<sc_bundles>
// kernel: kernel.3.cloned.1.call-start
scs
__scs_entry_jumppad:
0x0: {  	(pc) =	sbr.rel $0x88, $3  }
0x1: {  	(tag) =	ssettag $0x0;
	lr =	simm.s32 $0x1  }
0x2: {  	[smem:$0x3F96] =	sst lr;
	_ =	strace $0xD0000000  }
0x3: {  	_ = 	snop  }
0x4: {  	_ = 	snop  }
0x5: {  	_ = 	snop  }
0x6: {  	_ = 	snop  }
0x7: {  	_ = 	snop  }
__scs_overlays_trampoline_lowered:
0x8: {  	[smem:$0x3FA5] =	sst s0  }
0x9: {  	[smem:$0x3FA6] =	sst s1  }
0xa: {  	[smem:$0x3FA7] =	sst s2  }
0xb: {  	[smem:$0x3FA8] =	sst s3  }
0xc: {  	[smem:$0x3FA9] =	sst s4  }
0xd: {  	[smem:$0x3FAA] =	sst s5  }
0xe: {  	[smem:$0x3FAB] =	sst s6  }
0xf: {  	[smem:$0x3FAC] =	sst s7  }
0x10: {  	[smem:$0x3FAD] =	sst s8  }
0x11: {  	[smem:$0x3FAE] =	sst s9;
	s0 =	simm.s32 @!p0 $0x0  }
0x12: {  	s1 =	sld [smem:$0x3F94];
	s0 =	simm.s32 @p0 $0x1  }
0x13: {  	[smem:$0x3FAF] =	sst s0;
	s0 =	simm.s32 @!p1 $0x0  }
0x14: {  	s2 =	sld [smem:$0x3F93];
	s0 =	simm.s32 @p1 $0x1  }
0x15: {  	[smem:$0x3FB0] =	sst s0;
	s0 =	simm.s32 @!p2 $0x0  }
0x16: {  	s3 =	sld [smem:$0x3FDB];
	s0 =	simm.s32 @p2 $0x1  }
0x17: {  	s4 =	simm.s32 $0x1BF5;
	[smem:$0x3FB2] =	sst s0  }
0x18: {  	s0 =	sld [smem:$0x3F95];
	_ =	swait.ge [sflag:s4], $0x0  }
0x19: {  	s7 =	sld [smem:$0x3F96]  }
0x1a: {  	s8 =	sadd.s32 $0xFFFFE003, lr  }
0x1b: {  	s9 =	sadd.s32 $0xFFFFFEF7, lr;
	s5 =	simm.s32 $0xFFFFFFFF;
	p2 =	slt.u32 s8, $0xFFFFF086  }
0x1c: {  	p1 =	slt.u32 s9, $0xF7A;
	s5 =	simm.s32 @!p2 $0x0  }
0x1d: {  	s5 =	simm.s32 @p1 $0x1;
	p0 =	seq.s32 s7, s2  }
0x1e: {  	s7 =	smul.u32 @!p0 $0xF7A, s2;
	p2 =	seq.s32 @!p0 s5, $0x0  }
0x1f: {  	s9 =	smul.u32 $0xF7A, s1;
	s8 =	simm.s32 @!p0 $0x1BF5;
	p2 =	por !p2, p0  }
0x20: {  	[sflag:s8] =	ssyncset.s32 @!p0 $0xFFFFF086;
	s6 =	sadd.s32 @!p0 s3, s7;
	s7 =	simm.s32 @!p0 $0x108  }
0x21: {  	s3 =	sadd.s32 s3, s9;
	s6 =	sadd.s32 @!p0 $0x88, s6;
	s7 =	simm.s32 @p2 $0x1082  }
0x22: {  	[simem:s7], [sflag:s8] =	dma.local @!p0 [hbm:s6], $0xF7A  }
0x23: {  	s9 =	sor.u32 $0xD0000000, s2;
	s6 =	simm.s32 $0x108;
	_ =	swait.ge @!p0 [sflag:s8], $0x0  }
0x24: {  	s3 =	sadd.s32 $0x88, s3;
	s6 =	simm.s32 @!p1 $0x1082;
	[sflag:s4] =	ssyncset.s32 $0xFFFFF086  }
0x25: {  	[simem:s6], [sflag:s4] =	dma.local [hbm:s3], $0xF7A  }
0x26: {  	[smem:$0x3F96] =	sst s1;
	(tag) =	ssettag s2;
	_ =	strace s9  }
0x27: {  	s1 =	sld [smem:$0x3FA6]  }
0x28: {  	s2 =	sld [smem:$0x3FA7]  }
0x29: {  	s4 =	sld [smem:$0x3FA9]  }
0x2a: {  	p0 =	seq.s32 s5, $0x0;
	s5 =	sld [smem:$0x3FAA]  }
0x2b: {  	s6 =	sld [smem:$0x3FAB]  }
0x2c: {  	s7 =	sld [smem:$0x3FAC]  }
0x2d: {  	s3 =	simm.s32 $0x108;
	s8 =	sld [smem:$0x3FAD]  }
0x2e: {  	s3 =	simm.s32 @!p0 $0x1082;
	s9 =	sld [smem:$0x3FAE]  }
0x2f: {  	lr =	sadd.s32 s0, s3;
	s0 =	sld [smem:$0x3FA5]  }
0x30: {  	s3 =	sld [smem:$0x3FA8]  }
0x31: {  	[smem:$0x3FB1] =	sst s10  }
0x32: {  	s10 =	sld [smem:$0x3FAF];
	_ =	sdelay $0x3  }
0x33: {  	p0 =	seq.s32 s10, $0x1;
	s10 =	sld [smem:$0x3FB1];
	_ =	sdelay $0x3  }
0x34: {  	[smem:$0x3FB1] =	sst s10  }
0x35: {  	s10 =	sld [smem:$0x3FB0];
	_ =	sdelay $0x3  }
0x36: {  	p1 =	seq.s32 s10, $0x1;
	s10 =	sld [smem:$0x3FB1];
	_ =	sdelay $0x3  }
0x37: {  	[smem:$0x3FB1] =	sst s10  }
0x38: {  	s10 =	sld [smem:$0x3FB2]  }
0x39: {  	_ = 	snop;
	(pc) =	sbr.ind lr, $3  }
0x3a: {  	_ = 	snop  }
0x3b: {  	_ = 	snop  }
0x3c: {  	p2 =	seq.s32 s10, $0x1;
	s10 =	sld [smem:$0x3FB1]  }
0x3d: {  	_ =	shalt  }
0x3e: {  	_ =	shalt  }
0x3f: {  	_ =	shalt  }
0x40: {  	_ =	shalt  }
0x41: {  	_ =	shalt  }
0x42: {  	_ =	shalt  }
0x43: {  	_ =	shalt  }
0x44: {  	_ =	shalt  }
0x45: {  	_ =	shalt  }
0x46: {  	_ =	shalt  }
0x47: {  	_ =	shalt  }
0x48: {  	_ =	shalt  }
0x49: {  	_ =	shalt  }
0x4a: {  	_ =	shalt  }
0x4b: {  	_ =	shalt  }
0x4c: {  	_ =	shalt  }
0x4d: {  	_ =	shalt  }
0x4e: {  	_ =	shalt  }
0x4f: {  	_ =	shalt  }
0x50: {  	_ =	shalt  }
0x51: {  	_ =	shalt  }
0x52: {  	_ =	shalt  }
0x53: {  	_ =	shalt  }
0x54: {  	_ =	shalt  }
0x55: {  	_ =	shalt  }
0x56: {  	_ =	shalt  }
0x57: {  	_ =	shalt  }
0x58: {  	_ =	shalt  }
0x59: {  	_ =	shalt  }
0x5a: {  	_ =	shalt  }
0x5b: {  	_ =	shalt  }
0x5c: {  	_ =	shalt  }
0x5d: {  	_ =	shalt  }
0x5e: {  	_ =	shalt  }
0x5f: {  	_ =	shalt  }
0x60: {  	_ =	shalt  }
0x61: {  	_ =	shalt  }
0x62: {  	_ =	shalt  }
0x63: {  	_ =	shalt  }
0x64: {  	_ =	shalt  }
0x65: {  	_ =	shalt  }
0x66: {  	_ =	shalt  }
0x67: {  	_ =	shalt  }
0x68: {  	_ =	shalt  }
0x69: {  	_ =	shalt  }
0x6a: {  	_ =	shalt  }
0x6b: {  	_ =	shalt  }
0x6c: {  	_ =	shalt  }
0x6d: {  	_ =	shalt  }
0x6e: {  	_ =	shalt  }
0x6f: {  	_ =	shalt  }
0x70: {  	_ =	shalt  }
0x71: {  	_ =	shalt  }
0x72: {  	_ =	shalt  }
0x73: {  	_ =	shalt  }
0x74: {  	_ =	shalt  }
0x75: {  	_ =	shalt  }
0x76: {  	_ =	shalt  }
0x77: {  	_ =	shalt  }
0x78: {  	_ =	shalt  }
0x79: {  	_ =	shalt  }
0x7a: {  	_ =	shalt  }
0x7b: {  	_ =	shalt  }
0x7c: {  	_ =	shalt  }
0x7d: {  	_ =	shalt  }
0x7e: {  	_ =	shalt  }
0x7f: {  	_ =	shalt  }
0x80: {  	_ =	shalt  }
0x81: {  	_ =	shalt  }
0x82: {  	_ =	shalt  }
0x83: {  	_ =	shalt  }
0x84: {  	_ =	shalt  }
0x85: {  	_ =	shalt  }
0x86: {  	_ =	shalt  }
0x87: {  	_ =	shalt  }
.Lfunc_end0:
.L_simem_size_0:
called_computation_lowered:
.L_overlay_start_0:
0x88: {  	s0 =	sld [smem:$0x3FD9]  }
0x89: {  	s1 =	sld [smem:$0x3FFE];
	_ =	sdelay $0x3  }
0x8a: {  	s0 =	sadd.s32 s1, s0  }
0x8b: {  	[smem:$0x3FBD] =	sst s0  }
0x8c: {  	_ = 	snop  }
0x8d: {  	s3 =	sld [smem:$0x3FD0];
	_ =	sdelay $0x2  }
0x8e: {  	s4 =	simm.s32 $0xB;
	s5 =	simm.s32 $0x18  }
0x8f: {  	[smem:s5], [sflag:s4] =	dma.local [hbm:s3], $0x1  }
0x90: {  	_ =	swait.eq [sflag:s4], $0x1  }
0x91: {  	s6 =	sld [smem:$0x18]  }
0x92: {  	s7 =	sld [smem:$0x19]  }
0x93: {  	s8 =	sld [smem:$0x1A]  }
0x94: {  	s9 =	sld [smem:$0x1B]  }
0x95: {  	s0 =	sld [smem:$0x1C]  }
0x96: {  	s1 =	sld [smem:$0x1D];
	[sflag:s4] =	ssyncset.done $0x0  }
0x97: {  	s2 =	sld [smem:$0x1E];
	[sflag:s4] =	ssyncadd.s32 $0xFFFFFFFF  }
0x98: {  	s3 =	sadd.s32 $0x1, s3;
	s10 =	sld [smem:$0x1F]  }
0x99: {  	[smem:s5], [sflag:s4] =	dma.local [hbm:s3], $0x1  }
0x9a: {  	_ =	swait.eq [sflag:s4], $0x1  }
0x9b: {  	[sflag:s4] =	ssyncset.done $0x0;
	s24 =	sld [smem:$0x18]  }
0x9c: {  	s26 =	simm.s32 $0x0;
	s25 =	sld [smem:$0x19];
	[sflag:s4] =	ssyncadd.s32 $0xFFFFFFFF  }
0x9d: {  	[smem:$0xF] =	sst s26  }
0x9e: {  	(tm) =	ssettm $0x1  }
0x9f: {  	s28 =	sld [smem:$0x3FFB];
	_ =	sdelay $0x3  }
0xa0: {  	_ =	strace s28  }
0xa1: {  	s5 =	sld [smem:$0x3FFC];
	_ =	sdelay $0x3  }
0xa2: {  	_ =	strace s5  }
0xa3: {  	s5 =	sld [smem:$0x3FFD];
	_ =	sdelay $0x3  }
0xa4: {  	_ =	strace s5  }
0xa5: {  	s29 =	simm.s32 $0x1B8B;
	_ =	strace $0x8FFFFFFF  }
0xa6: {  	_ =	swait.ge [sflag:s29], $0x1  }
0xa7: {  	[sflag:s29] =	ssyncset.done $0x0  }
0xa8: {  	s11 =	simm.s32 $0x1B8E;
	[sflag:s29] =	ssyncadd.s32 $0xFFFFFFFF  }
0xa9: {  	s31 =	simm.s32 $0xA;
	[smem:$0x3FD2] =	sst s11  }
0xaa: {  	s12 =	simm.s32 $0x10;
	s30 =	sld [smem:$0x3FFE];
	_ =	strace $0x80000046  }
0xab: {  	[smem:s12], [sflag:s31] =	dma.local [hbm:s24], $0x1  }
0xac: {  	_ =	swait.ge [sflag:s31], $0x1  }
0xad: {  	[sflag:s31] =	ssyncset.done $0x0  }
0xae: {  	[sflag:s31] =	ssyncadd.s32 $0xFFFFFFFF  }
0xaf: {  	s12 =	sld [smem:$0x10];
	_ =	sdelay $0x3  }
0xb0: {  	s3 =	smul.f32 $1.000000000e+02, s12;
	_ =	sdelay $0x1  }
0xb1: {  	s13 =	scvt.f32.s32 s3;
	_ =	sdelay $0x1  }
0xb2: {  	s14 =	scvt.s32.f32 s13;
	_ =	sdelay $0x1  }
0xb3: {  	p0 =	slt.f32 s3, s14  }
0xb4: {  	s3 =	simm.s32 $0x1  }
0xb5: {  	s3 =	simm.s32 @!p0 $0x0  }
0xb6: {  	s3 =	ssub.s32 s13, s3  }
0xb7: {  	s13 =	simm.s32 $0x9;
	s11 =	sand.u32 $0x1FFFFFFF, s3  }
0xb8: {  	s16 =	smul.u32 $0x18, s3;
	s3 =	sshll.u32 s3, $0x1;
	s11 =	sadd.s32 s11, s30  }
0xb9: {  	s3 =	sand.u32 $0x1FFFFFFE, s3;
	s15 =	sadd.s32 $0xA00, s11;
	s17 =	sadd.s32 $0xC00, s11  }
0xba: {  	[hbm:s6], [sflag:s13] =	dma.local [hbm:s15], $0x1  }
0xbb: {  	s18 =	sadd.s32 $0xE00, s11;
	s3 =	sadd.s32 s3, s30;
	s6 =	sshrl.u32 s16, $0x3  }
0xbc: {  	[hbm:s7], [sflag:s13] =	dma.local [hbm:s17], $0x1  }
0xbd: {  	s19 =	sadd.s32 $0x1000, s11;
	s22 =	sadd.s32 $0x1600, s3;
	s6 =	sadd.s32 s6, s30  }
0xbe: {  	[hbm:s8], [sflag:s13] =	dma.local [hbm:s18], $0x1  }
0xbf: {  	s23 =	sadd.s32 $0x1800, s3;
	s20 =	sadd.s32 $0x1200, s6;
	s21 =	sadd.s32 $0x1400, s6  }
0xc0: {  	[hbm:s9], [sflag:s13] =	dma.local [hbm:s19], $0x1  }
0xc1: {  	[hbm:s10], [sflag:s13] =	dma.local [hbm:s20], $0x3  }
0xc2: {  	[hbm:s25], [sflag:s13] =	dma.local [hbm:s21], $0x3  }
0xc3: {  	s24 =	sadd.s32 $0x1A00, s3;
	s26 =	sadd.s32 $0x1C00, s6;
	s25 =	sadd.s32 $0x1E00, s30  }
0xc4: {  	[hbm:s2], [sflag:s13] =	dma.local [hbm:s22], $0x2  }
0xc5: {  	[hbm:s1], [sflag:s13] =	dma.local [hbm:s23], $0x2  }
0xc6: {  	[hbm:s0], [sflag:s13] =	dma.local [hbm:s24], $0x2  }
0xc7: {  	[hbm:s25], [sflag:s13] =	dma.local [hbm:s26], $0x3  }
0xc8: {  	_ =	swait.ge [sflag:s13], $0x1  }
0xc9: {  	[sflag:s13] =	ssyncset.done $0x0  }
0xca: {  	[sflag:s13] =	ssyncadd.s32 $0xFFFFFFFF;
	_ =	sdelay $0x2  }
0xcb: {  	_ =	swait.ge [sflag:s13], $0x1  }
0xcc: {  	[sflag:s13] =	ssyncset.done $0x0  }
0xcd: {  	[sflag:s13] =	ssyncadd.s32 $0xFFFFFFFF;
	_ =	sdelay $0x2  }
0xce: {  	_ =	swait.ge [sflag:s13], $0x1  }
0xcf: {  	[sflag:s13] =	ssyncset.done $0x0  }
0xd0: {  	[sflag:s13] =	ssyncadd.s32 $0xFFFFFFFF;
	_ =	sdelay $0x2  }
0xd1: {  	_ =	swait.ge [sflag:s13], $0x1  }
0xd2: {  	[sflag:s13] =	ssyncset.done $0x0  }
0xd3: {  	[sflag:s13] =	ssyncadd.s32 $0xFFFFFFFF;
	_ =	sdelay $0x2  }
0xd4: {  	_ =	swait.ge [sflag:s13], $0x3  }
0xd5: {  	[sflag:s13] =	ssyncset.done $0x0  }
0xd6: {  	[sflag:s13] =	ssyncadd.s32 $0xFFFFFFFD;
	_ =	sdelay $0x2  }
0xd7: {  	_ =	swait.ge [sflag:s13], $0x3  }
0xd8: {  	[sflag:s13] =	ssyncset.done $0x0  }
0xd9: {  	[sflag:s13] =	ssyncadd.s32 $0xFFFFFFFD;
	_ =	sdelay $0x2  }
0xda: {  	_ =	swait.ge [sflag:s13], $0x2  }
0xdb: {  	[sflag:s13] =	ssyncset.done $0x0  }
0xdc: {  	[sflag:s13] =	ssyncadd.s32 $0xFFFFFFFE;
	_ =	sdelay $0x2  }
0xdd: {  	_ =	swait.ge [sflag:s13], $0x2  }
0xde: {  	[sflag:s13] =	ssyncset.done $0x0  }
0xdf: {  	[sflag:s13] =	ssyncadd.s32 $0xFFFFFFFE;
	_ =	sdelay $0x2  }
0xe0: {  	_ =	swait.ge [sflag:s13], $0x2  }
0xe1: {  	[sflag:s13] =	ssyncset.done $0x0  }
0xe2: {  	[sflag:s13] =	ssyncadd.s32 $0xFFFFFFFE;
	_ =	sdelay $0x2  }
0xe3: {  	_ =	swait.ge [sflag:s13], $0x3  }
0xe4: {  	[sflag:s13] =	ssyncset.done $0x0  }
0xe5: {  	[sflag:s13] =	ssyncadd.s32 $0xFFFFFFFD  }
0xe6: {  	_ =	strace $0x90000046  }
0xe7: {  	_ =	sfence  }
0xe8: {  	s28 =	sld [smem:$0x0];
	_ =	sdelay $0x1  }
0xe9: {  	s29 =	srdreg.scid  }
0xea: {  	s31 =	sshrl.u32 s29, $0x2;
	s30 =	sshll.u32 s29, $0xD  }
0xeb: {  	s2 =	sand.u32 $0x4000, s30;
	s1 =	sand.u32 $0x1, s29;
	s0 =	sadd.s32 s31, s28  }
0xec: {  	s1 =	sor.u32 s2, s1;
	s0 =	sshll.u32 s0, $0x11  }
0xed: {  	s0 =	sor.u32 s0, s1  }
0xee: {  	s0 =	sadd.s32 $0x8F2B, s0;
	(pc) =	sbr.abs _section_cstart, $3  }
0xef: {  	[sflag:s0] =	ssyncadd.remote.s32 $0x1  }
0xf0: {  	_ =	strace $0x9FFFFFFF  }
0xf1: {  	(tm) =	ssettm $0x7FFFFFFF  }

</sc_bundles>
